<compile_context>
chip_gen: v7x
topology: tpu7x:2x2x1
jax: 0.10.2.dev20260603
libtpu: 0.0.44.dev20260713+nightly
codegen_flags: <defaults>
</compile_context>

<pallas_src>
import dataclasses

import jax
import jax.numpy as jnp
from jax.experimental import pallas as pl
from jax.experimental.pallas import tpu as pltpu
from jax.experimental.pallas import tpu_sc as plsc

_E = 64
_D = 48
_TM = 512
_RB = 8


def _router_kernel(x_ref, wr_ref, o_ref):
    xb = x_ref[...].astype(jnp.bfloat16)
    o_ref[...] = jax.lax.dot_general(
        xb, wr_ref[...].astype(jnp.bfloat16), (((1,), (1,)), ((), ())),
        preferred_element_type=jnp.float32)


def _sc_argmax(logits):
    n = logits.shape[0]
    mesh = plsc.VectorSubcoreMesh(core_axis_name="c", subcore_axis_name="s")

    cp = pltpu.CompilerParams()
    if "needs_layout_passes" in pltpu.CompilerParams.__dataclass_fields__:
        cp = dataclasses.replace(cp, needs_layout_passes=False)

    @pl.kernel(out_type=jax.ShapeDtypeStruct((n, 16), jnp.int32), mesh=mesh,
               compiler_params=cp)
    def _argmax_kernel(l_hbm, o_hbm):
        def body(l_vmem, o_vmem):
            @pl.loop(0, _RB)
            def _(r):
                v0 = l_vmem.at[r, pl.ds(0, 16)][...]
                v1 = l_vmem.at[r, pl.ds(16, 16)][...]
                v2 = l_vmem.at[r, pl.ds(32, 16)][...]
                v3 = l_vmem.at[r, pl.ds(48, 16)][...]
                m = jnp.maximum(jnp.maximum(v0, v1), jnp.maximum(v2, v3))
                mr = jax.lax.reduce_max(m, (0,))
                idx = jax.lax.iota(jnp.int32, 16)
                big = jnp.full((16,), _E, jnp.int32)
                c0 = jnp.where(v0 == mr, idx, big)
                c1 = jnp.where(v1 == mr, idx + 16, big)
                c2 = jnp.where(v2 == mr, idx + 32, big)
                c3 = jnp.where(v3 == mr, idx + 48, big)
                cm = jnp.minimum(jnp.minimum(c0, c1), jnp.minimum(c2, c3))
                eid = jax.lax.reduce_min(cm, (0,))
                o_vmem.at[r, :][...] = jnp.broadcast_to(eid, (16,))

        pltpu.emit_pipeline(
            body,
            grid=(n // _RB,),
            in_specs=[pl.BlockSpec((_RB, _E), index_map=lambda i: (i, 0))],
            out_specs=[pl.BlockSpec((_RB, 16), index_map=lambda i: (i, 0))],
            core_axis_name=("c", "s"),
            dimension_semantics=(pltpu.PARALLEL,),
        )(l_hbm, o_hbm)

    return _argmax_kernel(logits)


def _moe_dense_kernel(x_ref, eid_ref, w1_ref, w2_ref, o_ref):
    xb = x_ref[...].astype(jnp.bfloat16)
    lo = eid_ref[...][:, :1] * _D

    h = jax.lax.dot_general(
        xb, w1_ref[...], (((1,), (0,)), ((), ())),
        preferred_element_type=jnp.float32)
    h = jnp.maximum(h, 0.0)
    h = h * h
    col = jax.lax.broadcasted_iota(jnp.int32, h.shape, 1)
    rel = (col - lo).astype(jnp.uint32)
    g = jnp.where(rel < _D, h, 0.0).astype(jnp.bfloat16)

    o_ref[...] = jax.lax.dot_general(
        g, w2_ref[...].astype(jnp.bfloat16), (((1,), (0,)), ((), ())),
        preferred_element_type=jnp.float32)


def kernel(x, Wr, W1, W2):
    B, T, C = x.shape
    N = B * T
    E, _, D = W1.shape
    x_flat = x.reshape(N, C)
    w1cat = W1.astype(jnp.bfloat16).transpose(1, 0, 2).reshape(C, E * D)
    w2cat = W2.reshape(E * D, C)

    logits = pl.pallas_call(
        _router_kernel,
        out_shape=jax.ShapeDtypeStruct((N, E), jnp.float32),
    )(x_flat, Wr)

    eid = _sc_argmax(logits)

    out = pl.pallas_call(
        _moe_dense_kernel,
        grid=(N // _TM,),
        in_specs=[
            pl.BlockSpec((_TM, C), lambda i: (i, 0)),
            pl.BlockSpec((_TM, 16), lambda i: (i, 0)),
            pl.BlockSpec((C, E * D), lambda i: (0, 0)),
            pl.BlockSpec((E * D, C), lambda i: (0, 0)),
        ],
        out_specs=pl.BlockSpec((_TM, C), lambda i: (i, 0)),
        out_shape=jax.ShapeDtypeStruct((N, C), jnp.float32),
        compiler_params=pltpu.CompilerParams(
            dimension_semantics=("parallel",)),
    )(x_flat, eid, w1cat, w2cat)
    return out.reshape(B, T, C)

# --- scband reference (transcript-rebuilt; emitter-appended) ---
"""Pipeline reference for scband-mo-e-31920196944056 (READ-ONLY COPY).

The authoritative reference and input builder live on the scoring server;
editing this copy changes nothing except your own understanding.
"""

import jax, jax.numpy as jnp
import numpy as np

E = 64
TOP_K = 1
C = 768
D = 4 * C * TOP_K // E  # 48, matches EfficientMoE d_expert computation


def setup_inputs(seed: int = 0) -> dict:
    key = jax.random.key(seed)
    k1, k2, k3, k4 = jax.random.split(key, 4)
    x = jax.random.normal(k1, (1, 2048, C), dtype=jnp.float32)
    # router weight, nn.Linear(C, E, bias=False) -> weight [E, C]
    Wr = jax.random.normal(k2, (E, C), dtype=jnp.float32) * 0.02
    # stacked expert weights (already transposed as in forward): w1_all [E, C, D], w2_all [E, D, C]
    W1 = jax.random.normal(k3, (E, C, D), dtype=jnp.float32) * 0.02
    W2 = jax.random.normal(k4, (E, D, C), dtype=jnp.float32) * 0.02
    return {"x": x, "Wr": Wr, "W1": W1, "W2": W2}


def reference(x, Wr, W1, W2):
    B, T, Cc = x.shape
    x_flat = x.reshape(-1, Cc)                      # [N, C]
    router_logits = x_flat @ Wr.T                   # [N, E]
    top_k_logits, top_k_indices = jax.lax.top_k(router_logits, TOP_K)  # [N, k]
    router_probs = jax.nn.softmax(top_k_logits, axis=-1)               # [N, k]
    # per-token gather of full expert weight matrices (memory-bound)
    w1_selected = W1[top_k_indices]                 # [N, k, C, D]
    w2_selected = W2[top_k_indices]                 # [N, k, D, C]
    x_expanded = x_flat[:, None, None, :]           # [N, 1, 1, C] broadcasts over k
    hidden = jnp.matmul(x_expanded, w1_selected)    # [N, k, 1, D]
    hidden = jnp.square(jax.nn.relu(hidden))
    expert_outputs = jnp.matmul(hidden, w2_selected)[:, :, 0, :]  # [N, k, C]
    output = (expert_outputs * router_probs[:, :, None]).sum(axis=1)  # [N, C]
    return output.reshape(B, T, Cc)

if __name__ == "__main__":
    import jax
    _d = setup_inputs()
    print(jax.jit(kernel)(*tuple(_d.values())))

</pallas_src>

<mosaic_0001>
#map = affine_map<(d0, d1) -> (0, 0)>
module attributes {stable_mosaic.version = 14 : i64} {
  func.func @_argmax_kernel(%arg0: i32, %arg1: i32, %arg2: memref<2048x64xf32, #tpu.memory_space<hbm>>, %arg3: memref<2048x16xi32, #tpu.memory_space<hbm>>) attributes {dimension_semantics = [#tpu.dimension_semantics<core_parallel>, #tpu.dimension_semantics<subcore_parallel>], iteration_bounds = array<i64: 2, 16>, scalar_prefetch = 0 : i64, scratch_operands = 0 : i64, tpu.core_type = #tpu.core_type<sc_vector_subcore>, window_params = [{transform_indices = #map}, {transform_indices = #map}]} {
    %mul3A = arith.constant 1 : i32
    %mul3A_0 = arith.muli %arg1, %mul3A : i32
    %add3A = arith.constant 0 : i32
    %add3A_1 = arith.addi %add3A, %mul3A_0 : i32
    %mul3A_2 = arith.constant 16 : i32
    %mul3A_3 = arith.muli %arg0, %mul3A_2 : i32
    %add3A_4 = arith.addi %add3A_1, %mul3A_3 : i32
    %mul3A_5 = arith.constant 8 : i32
    %mul3A_6 = arith.muli %add3A_4, %mul3A_5 : i32
    "tpu.region"() ({
      %run_scoped3A = memref.alloca() : memref<2x8x64xf32, #tpu.memory_space<vmem>>
      %run_scoped3A_7 = tpu.sem_alloc : memref<2x!tpu.dma_semaphore, #tpu.memory_space<semaphore_mem>>
      %run_scoped3A_8 = memref.alloca() : memref<2x8x16xi32, #tpu.memory_space<vmem>>
      %run_scoped3A_9 = tpu.sem_alloc : memref<2x!tpu.dma_semaphore, #tpu.memory_space<semaphore_mem>>
      %add3A_10 = arith.constant 0 : i32
      %add3A_11 = arith.addi %add3A_10, %mul3A_6 : i32
      %select_n3A = arith.constant true
      %select_n3A_12 = arith.constant 0 : i32
      %select_n3A_13 = arith.constant -1 : i32
      %select_n3A_14 = arith.select %select_n3A, %select_n3A_13, %select_n3A_12 : i32
      %eq3A = arith.constant -1 : i32
      %eq3A_15 = arith.cmpi eq, %select_n3A_14, %eq3A : i32
      %select_n3A_16 = arith.constant 7 : i32
      %select_n3A_17 = arith.select %eq3A_15, %select_n3A_16, %select_n3A_14 : i32
      %add3A_18 = arith.addi %select_n3A_17, %mul3A_6 : i32
      %select_n3A_19 = arith.constant true
      %select_n3A_20 = arith.constant 0 : i32
      %select_n3A_21 = arith.constant 1 : i32
      %select_n3A_22 = arith.select %select_n3A_19, %select_n3A_21, %select_n3A_20 : i32
      %eq3A_23 = arith.constant 8 : i32
      %eq3A_24 = arith.cmpi eq, %select_n3A_22, %eq3A_23 : i32
      %select_n3A_25 = arith.constant 0 : i32
      %select_n3A_26 = arith.select %eq3A_24, %select_n3A_25, %select_n3A_22 : i32
      %add3A_27 = arith.addi %select_n3A_26, %mul3A_6 : i32
      %add3A_28 = arith.constant 1 : i32
      %add3A_29 = arith.addi %select_n3A_26, %add3A_28 : i32
      %select_n3A_30 = arith.constant true
      %select_n3A_31 = arith.select %select_n3A_30, %add3A_29, %select_n3A_26 : i32
      %eq3A_32 = arith.constant 8 : i32
      %eq3A_33 = arith.cmpi eq, %select_n3A_31, %eq3A_32 : i32
      %select_n3A_34 = arith.constant 0 : i32
      %select_n3A_35 = arith.select %eq3A_33, %select_n3A_34, %select_n3A_31 : i32
      %add3A_36 = arith.addi %select_n3A_35, %mul3A_6 : i32
      "tpu.trace_start"() <{level = 10 : i32, message = "ep_initialize_0"}> : () -> ()
      %rem3A = arith.constant 0 : i32
      %rem3A_37 = arith.constant 2 : i32
      %rem3A_38 = arith.remui %rem3A, %rem3A_37 : i32
      %mul3A_39 = arith.constant 8 : i32
      %mul3A_40 = arith.muli %mul3A_39, %add3A_11 : i32
      %dma_start3A = arith.constant 0 : i32
      %dma_start3A_41 = arith.constant 0 : i32
      %dma_start3A_42 = tpu.memref_slice %run_scoped3A[%rem3A_38, %dma_start3A, %dma_start3A_41] : memref<2x8x64xf32, #tpu.memory_space<vmem>> -> memref<1x8x64xf32, #tpu.memory_space<vmem>>
      %dma_start3A_43 = tpu.memref_squeeze %dma_start3A_42 : memref<1x8x64xf32, #tpu.memory_space<vmem>> -> memref<8x64xf32, #tpu.memory_space<vmem>>
      %dma_start3A_44 = arith.constant 0 : i32
      %dma_start3A_45 = tpu.memref_slice %arg2[%mul3A_40, %dma_start3A_44] : memref<2048x64xf32, #tpu.memory_space<hbm>> -> memref<8x64xf32, #tpu.memory_space<hbm>>
      %dma_start3A_46 = tpu.memref_slice %run_scoped3A_7[%rem3A_38] : memref<2x!tpu.dma_semaphore, #tpu.memory_space<semaphore_mem>> -> memref<1x!tpu.dma_semaphore, #tpu.memory_space<semaphore_mem>>
      %dma_start3A_47 = tpu.memref_squeeze %dma_start3A_46 : memref<1x!tpu.dma_semaphore, #tpu.memory_space<semaphore_mem>> -> memref<!tpu.dma_semaphore, #tpu.memory_space<semaphore_mem>>
      %dma_start3A_48 = arith.constant 0 : i32
      %dma_start3A_49 = arith.constant 0 : i32
      %dma_start3A_50 = tpu.memref_slice %run_scoped3A[%rem3A_38, %dma_start3A_48, %dma_start3A_49] : memref<2x8x64xf32, #tpu.memory_space<vmem>> -> memref<1x8x64xf32, #tpu.memory_space<vmem>>
      %dma_start3A_51 = tpu.memref_squeeze %dma_start3A_50 : memref<1x8x64xf32, #tpu.memory_space<vmem>> -> memref<8x64xf32, #tpu.memory_space<vmem>>
      %dma_start3A_52 = arith.constant 0 : i32
      %dma_start3A_53 = tpu.memref_slice %arg2[%mul3A_40, %dma_start3A_52] : memref<2048x64xf32, #tpu.memory_space<hbm>> -> memref<8x64xf32, #tpu.memory_space<hbm>>
      tpu.enqueue_dma source(%dma_start3A_53 : memref<8x64xf32, #tpu.memory_space<hbm>>) target(%dma_start3A_51 : memref<8x64xf32, #tpu.memory_space<vmem>>) target_semaphore(%dma_start3A_47 : memref<!tpu.dma_semaphore, #tpu.memory_space<semaphore_mem>>)
      %add3A_54 = arith.constant 0 : i32
      %add3A_55 = arith.constant 1 : i32
      %add3A_56 = arith.addi %add3A_54, %add3A_55 : i32
      %select_n3A_57 = arith.constant true
      %select_n3A_58 = arith.constant 0 : i32
      %select_n3A_59 = arith.select %select_n3A_57, %add3A_56, %select_n3A_58 : i32
      "tpu.trace_stop"() : () -> ()
      %scan3A = arith.constant 0 : i32
      %scan3A_60 = arith.constant 0 : i32
      %scan3A_61 = arith.constant 0 : i32
      %scan3A_62 = arith.constant 0 : i32
      %scan3A_63 = arith.constant 0 : i32
      %scan3A_64 = arith.constant 8 : i32
      %scan3A_65 = arith.addi %scan3A_63, %scan3A_64 : i32
      %scan3A_66 = arith.constant 1 : i32
      %scan3A_67:5 = scf.for %scan3A_121 = %scan3A_63 to %scan3A_65 step %scan3A_66 iter_args(%scan3A_122 = %select_n3A_59, %scan3A_123 = %scan3A, %scan3A_124 = %scan3A_60, %scan3A_125 = %scan3A_61, %scan3A_126 = %scan3A_62) -> (i32, i32, i32, i32, i32)  : i32 {
        %eq3A_127 = arith.constant 0 : i32
        %eq3A_128 = arith.cmpi eq, %scan3A_121, %eq3A_127 : i32
        %eq3A_129 = arith.constant 7 : i32
        %eq3A_130 = arith.cmpi eq, %scan3A_121, %eq3A_129 : i32
        %add3A_131 = arith.addi %scan3A_126, %mul3A_6 : i32
        %sub3A_132 = arith.constant 1 : i32
        %sub3A_133 = arith.subi %scan3A_126, %sub3A_132 : i32
        %select_n3A_134 = arith.constant true
        %select_n3A_135 = arith.select %select_n3A_134, %sub3A_133, %scan3A_126 : i32
        %eq3A_136 = arith.constant -1 : i32
        %eq3A_137 = arith.cmpi eq, %select_n3A_135, %eq3A_136 : i32
        %select_n3A_138 = arith.constant 7 : i32
        %select_n3A_139 = arith.select %eq3A_137, %select_n3A_138, %select_n3A_135 : i32
        %add3A_140 = arith.addi %select_n3A_139, %mul3A_6 : i32
        %add3A_141 = arith.constant 1 : i32
        %add3A_142 = arith.addi %scan3A_126, %add3A_141 : i32
        %select_n3A_143 = arith.constant true
        %select_n3A_144 = arith.select %select_n3A_143, %add3A_142, %scan3A_126 : i32
        %eq3A_145 = arith.constant 8 : i32
        %eq3A_146 = arith.cmpi eq, %select_n3A_144, %eq3A_145 : i32
        %select_n3A_147 = arith.constant 0 : i32
        %select_n3A_148 = arith.select %eq3A_146, %select_n3A_147, %select_n3A_144 : i32
        %add3A_149 = arith.addi %select_n3A_148, %mul3A_6 : i32
        %add3A_150 = arith.constant 1 : i32
        %add3A_151 = arith.addi %select_n3A_148, %add3A_150 : i32
        %select_n3A_152 = arith.constant true
        %select_n3A_153 = arith.select %select_n3A_152, %add3A_151, %select_n3A_148 : i32
        %eq3A_154 = arith.constant 8 : i32
        %eq3A_155 = arith.cmpi eq, %select_n3A_153, %eq3A_154 : i32
        %select_n3A_156 = arith.constant 0 : i32
        %select_n3A_157 = arith.select %eq3A_155, %select_n3A_156, %select_n3A_153 : i32
        %add3A_158 = arith.addi %select_n3A_157, %mul3A_6 : i32
        %ne3A = arith.cmpi ne, %add3A_131, %add3A_149 : i32
        %or3A = arith.constant false
        %or3A_159 = arith.ori %or3A, %ne3A : i1
        %or3A_160 = arith.constant false
        %or3A_161 = arith.ori %or3A_159, %or3A_160 : i1
        %ge3A = arith.constant 7 : i32
        %ge3A_162 = arith.cmpi sge, %scan3A_121, %ge3A : i32
        %not3A = arith.constant true
        %not3A_163 = arith.xori %ge3A_162, %not3A : i1
        %and3A = arith.andi %or3A_161, %not3A_163 : i1
        %convert_element_type3A = arith.extui %and3A : i1 to i32
        %cond3A = arith.constant 0 : i32
        %cond3A_164 = arith.cmpi ne, %convert_element_type3A, %cond3A : i32
        scf.if %cond3A_164 {
          "tpu.trace_start"() <{level = 10 : i32, message = "ep_copy_in"}> : () -> ()
          %rem3A_278 = arith.constant 2 : i32
          %rem3A_279 = arith.remui %scan3A_122, %rem3A_278 : i32
          %mul3A_280 = arith.constant 8 : i32
          %mul3A_281 = arith.muli %mul3A_280, %add3A_149 : i32
          %dma_start3A_282 = arith.constant 0 : i32
          %dma_start3A_283 = arith.constant 0 : i32
          %dma_start3A_284 = tpu.memref_slice %run_scoped3A[%rem3A_279, %dma_start3A_282, %dma_start3A_283] : memref<2x8x64xf32, #tpu.memory_space<vmem>> -> memref<1x8x64xf32, #tpu.memory_space<vmem>>
          %dma_start3A_285 = tpu.memref_squeeze %dma_start3A_284 : memref<1x8x64xf32, #tpu.memory_space<vmem>> -> memref<8x64xf32, #tpu.memory_space<vmem>>
          %dma_start3A_286 = arith.constant 0 : i32
          %dma_start3A_287 = tpu.memref_slice %arg2[%mul3A_281, %dma_start3A_286] : memref<2048x64xf32, #tpu.memory_space<hbm>> -> memref<8x64xf32, #tpu.memory_space<hbm>>
          %dma_start3A_288 = tpu.memref_slice %run_scoped3A_7[%rem3A_279] : memref<2x!tpu.dma_semaphore, #tpu.memory_space<semaphore_mem>> -> memref<1x!tpu.dma_semaphore, #tpu.memory_space<semaphore_mem>>
          %dma_start3A_289 = tpu.memref_squeeze %dma_start3A_288 : memref<1x!tpu.dma_semaphore, #tpu.memory_space<semaphore_mem>> -> memref<!tpu.dma_semaphore, #tpu.memory_space<semaphore_mem>>
          %dma_start3A_290 = arith.constant 0 : i32
          %dma_start3A_291 = arith.constant 0 : i32
          %dma_start3A_292 = tpu.memref_slice %run_scoped3A[%rem3A_279, %dma_start3A_290, %dma_start3A_291] : memref<2x8x64xf32, #tpu.memory_space<vmem>> -> memref<1x8x64xf32, #tpu.memory_space<vmem>>
          %dma_start3A_293 = tpu.memref_squeeze %dma_start3A_292 : memref<1x8x64xf32, #tpu.memory_space<vmem>> -> memref<8x64xf32, #tpu.memory_space<vmem>>
          %dma_start3A_294 = arith.constant 0 : i32
          %dma_start3A_295 = tpu.memref_slice %arg2[%mul3A_281, %dma_start3A_294] : memref<2048x64xf32, #tpu.memory_space<hbm>> -> memref<8x64xf32, #tpu.memory_space<hbm>>
          tpu.enqueue_dma source(%dma_start3A_295 : memref<8x64xf32, #tpu.memory_space<hbm>>) target(%dma_start3A_293 : memref<8x64xf32, #tpu.memory_space<vmem>>) target_semaphore(%dma_start3A_289 : memref<!tpu.dma_semaphore, #tpu.memory_space<semaphore_mem>>)
          "tpu.trace_stop"() : () -> ()
        } else {
        }
        %and3A_165 = arith.constant true
        %and3A_166 = arith.andi %and3A, %and3A_165 : i1
        %add3A_167 = arith.constant 1 : i32
        %add3A_168 = arith.addi %scan3A_122, %add3A_167 : i32
        %select_n3A_169 = arith.select %and3A_166, %add3A_168, %scan3A_122 : i32
        %ne3A_170 = arith.cmpi ne, %add3A_131, %add3A_149 : i32
        %or3A_171 = arith.constant false
        %or3A_172 = arith.ori %or3A_171, %ne3A_170 : i1
        %or3A_173 = arith.constant false
        %or3A_174 = arith.ori %or3A_172, %or3A_173 : i1
        %ge3A_175 = arith.constant 7 : i32
        %ge3A_176 = arith.cmpi sge, %scan3A_121, %ge3A_175 : i32
        %not3A_177 = arith.constant true
        %not3A_178 = arith.xori %ge3A_176, %not3A_177 : i1
        %and3A_179 = arith.andi %or3A_174, %not3A_178 : i1
        %ne3A_180 = arith.cmpi ne, %add3A_131, %add3A_140 : i32
        %or3A_181 = arith.constant false
        %or3A_182 = arith.ori %or3A_181, %ne3A_180 : i1
        %or3A_183 = arith.constant false
        %or3A_184 = arith.ori %or3A_182, %or3A_183 : i1
        %or3A_185 = arith.ori %or3A_184, %eq3A_128 : i1
        %convert_element_type3A_186 = arith.extui %or3A_185 : i1 to i32
        %cond3A_187 = arith.constant 0 : i32
        %cond3A_188 = arith.cmpi ne, %convert_element_type3A_186, %cond3A_187 : i32
        scf.if %cond3A_188 {
          "tpu.trace_start"() <{level = 10 : i32, message = "ep_wait_in"}> : () -> ()
          %mul3A_278 = arith.constant 8 : i32
          %mul3A_279 = arith.muli %mul3A_278, %add3A_131 : i32
          %rem3A_280 = arith.constant 2 : i32
          %rem3A_281 = arith.remui %scan3A_123, %rem3A_280 : i32
          %dma_wait3A_282 = arith.constant 0 : i32
          %dma_wait3A_283 = arith.constant 0 : i32
          %dma_wait3A_284 = tpu.memref_slice %run_scoped3A[%rem3A_281, %dma_wait3A_282, %dma_wait3A_283] : memref<2x8x64xf32, #tpu.memory_space<vmem>> -> memref<1x8x64xf32, #tpu.memory_space<vmem>>
          %dma_wait3A_285 = tpu.memref_squeeze %dma_wait3A_284 : memref<1x8x64xf32, #tpu.memory_space<vmem>> -> memref<8x64xf32, #tpu.memory_space<vmem>>
          %dma_wait3A_286 = arith.constant 0 : i32
          %dma_wait3A_287 = tpu.memref_slice %arg2[%mul3A_279, %dma_wait3A_286] : memref<2048x64xf32, #tpu.memory_space<hbm>> -> memref<8x64xf32, #tpu.memory_space<hbm>>
          %dma_wait3A_288 = tpu.memref_slice %run_scoped3A_7[%rem3A_281] : memref<2x!tpu.dma_semaphore, #tpu.memory_space<semaphore_mem>> -> memref<1x!tpu.dma_semaphore, #tpu.memory_space<semaphore_mem>>
          %dma_wait3A_289 = tpu.memref_squeeze %dma_wait3A_288 : memref<1x!tpu.dma_semaphore, #tpu.memory_space<semaphore_mem>> -> memref<!tpu.dma_semaphore, #tpu.memory_space<semaphore_mem>>
          %dma_wait3A_290 = arith.constant 0 : i32
          %dma_wait3A_291 = arith.constant 0 : i32
          %dma_wait3A_292 = tpu.memref_slice %run_scoped3A[%rem3A_281, %dma_wait3A_290, %dma_wait3A_291] : memref<2x8x64xf32, #tpu.memory_space<vmem>> -> memref<1x8x64xf32, #tpu.memory_space<vmem>>
          %dma_wait3A_293 = tpu.memref_squeeze %dma_wait3A_292 : memref<1x8x64xf32, #tpu.memory_space<vmem>> -> memref<8x64xf32, #tpu.memory_space<vmem>>
          %dma_wait3A_294 = arith.constant 0 : i32
          %dma_wait3A_295 = tpu.memref_slice %arg2[%mul3A_279, %dma_wait3A_294] : memref<2048x64xf32, #tpu.memory_space<hbm>> -> memref<8x64xf32, #tpu.memory_space<hbm>>
          tpu.wait_dma2 semaphore(%dma_wait3A_289 : memref<!tpu.dma_semaphore, #tpu.memory_space<semaphore_mem>>) src(%dma_wait3A_295 : memref<8x64xf32, #tpu.memory_space<hbm>>) dst(%dma_wait3A_293 : memref<8x64xf32, #tpu.memory_space<vmem>>)
          "tpu.trace_stop"() : () -> ()
        } else {
        }
        %ne3A_189 = arith.cmpi ne, %add3A_131, %add3A_140 : i32
        %or3A_190 = arith.constant false
        %or3A_191 = arith.ori %or3A_190, %ne3A_189 : i1
        %or3A_192 = arith.constant false
        %or3A_193 = arith.ori %or3A_191, %or3A_192 : i1
        %or3A_194 = arith.ori %or3A_193, %eq3A_128 : i1
        %convert_element_type3A_195 = arith.extui %or3A_194 : i1 to i32
        %cond3A_196 = arith.constant 0 : i32
        %cond3A_197 = arith.cmpi ne, %convert_element_type3A_195, %cond3A_196 : i32
        scf.if %cond3A_197 {
        } else {
        }
        %rem3A_198 = arith.constant 2 : i32
        %rem3A_199 = arith.remui %scan3A_123, %rem3A_198 : i32
        %rem3A_200 = arith.constant 2 : i32
        %rem3A_201 = arith.remui %scan3A_124, %rem3A_200 : i32
        "tpu.trace_start"() <{level = 10 : i32, message = "ep_run_kernel"}> : () -> ()
        %scan3A_202 = arith.constant 0 : i32
        %scan3A_203 = arith.constant 8 : i32
        %scan3A_204 = arith.addi %scan3A_202, %scan3A_203 : i32
        %scan3A_205 = arith.constant 1 : i32
        scf.for %scan3A_278 = %scan3A_202 to %scan3A_204 step %scan3A_205  : i32 {
          %mul3A_279 = arith.constant 1 : i32
          %mul3A_280 = arith.muli %scan3A_278, %mul3A_279 : i32
          %add3A_281 = arith.constant 0 : i32
          %add3A_282 = arith.addi %add3A_281, %mul3A_280 : i32
          %get3A = arith.constant 0 : i32
          %get3A_283 = arith.constant 0 : i32
          %get3A_284 = tpu.memref_slice %run_scoped3A[%rem3A_199, %get3A, %get3A_283] : memref<2x8x64xf32, #tpu.memory_space<vmem>> -> memref<1x8x64xf32, #tpu.memory_space<vmem>>
          %get3A_285 = tpu.memref_squeeze %get3A_284 : memref<1x8x64xf32, #tpu.memory_space<vmem>> -> memref<8x64xf32, #tpu.memory_space<vmem>>
          %get3A_286 = arith.index_cast %add3A_282 : i32 to index
          %get3A_287 = arith.constant 0 : index
          %get3A_288 = tpu.vector_load %get3A_285[%get3A_286, %get3A_287] {strides = array<i32>} : memref<8x64xf32, #tpu.memory_space<vmem>>, vector<16xf32>,
          %get3A_289 = arith.constant 0 : i32
          %get3A_290 = arith.constant 0 : i32
          %get3A_291 = tpu.memref_slice %run_scoped3A[%rem3A_199, %get3A_289, %get3A_290] : memref<2x8x64xf32, #tpu.memory_space<vmem>> -> memref<1x8x64xf32, #tpu.memory_space<vmem>>
          %get3A_292 = tpu.memref_squeeze %get3A_291 : memref<1x8x64xf32, #tpu.memory_space<vmem>> -> memref<8x64xf32, #tpu.memory_space<vmem>>
          %get3A_293 = arith.index_cast %add3A_282 : i32 to index
          %get3A_294 = arith.constant 16 : index
          %get3A_295 = tpu.vector_load %get3A_292[%get3A_293, %get3A_294] {strides = array<i32>} : memref<8x64xf32, #tpu.memory_space<vmem>>, vector<16xf32>,
          %get3A_296 = arith.constant 0 : i32
          %get3A_297 = arith.constant 0 : i32
          %get3A_298 = tpu.memref_slice %run_scoped3A[%rem3A_199, %get3A_296, %get3A_297] : memref<2x8x64xf32, #tpu.memory_space<vmem>> -> memref<1x8x64xf32, #tpu.memory_space<vmem>>
          %get3A_299 = tpu.memref_squeeze %get3A_298 : memref<1x8x64xf32, #tpu.memory_space<vmem>> -> memref<8x64xf32, #tpu.memory_space<vmem>>
          %get3A_300 = arith.index_cast %add3A_282 : i32 to index
          %get3A_301 = arith.constant 32 : index
          %get3A_302 = tpu.vector_load %get3A_299[%get3A_300, %get3A_301] {strides = array<i32>} : memref<8x64xf32, #tpu.memory_space<vmem>>, vector<16xf32>,
          %get3A_303 = arith.constant 0 : i32
          %get3A_304 = arith.constant 0 : i32
          %get3A_305 = tpu.memref_slice %run_scoped3A[%rem3A_199, %get3A_303, %get3A_304] : memref<2x8x64xf32, #tpu.memory_space<vmem>> -> memref<1x8x64xf32, #tpu.memory_space<vmem>>
          %get3A_306 = tpu.memref_squeeze %get3A_305 : memref<1x8x64xf32, #tpu.memory_space<vmem>> -> memref<8x64xf32, #tpu.memory_space<vmem>>
          %get3A_307 = arith.index_cast %add3A_282 : i32 to index
          %get3A_308 = arith.constant 48 : index
          %get3A_309 = tpu.vector_load %get3A_306[%get3A_307, %get3A_308] {strides = array<i32>} : memref<8x64xf32, #tpu.memory_space<vmem>>, vector<16xf32>,
          %max3A = arith.maximumf %get3A_288, %get3A_295 : vector<16xf32>
          %max3A_310 = arith.maximumf %get3A_302, %get3A_309 : vector<16xf32>
          %max3A_311 = arith.maximumf %max3A, %max3A_310 : vector<16xf32>
          %reduce_max3A = arith.constant true
          %reduce_max3A_312 = vector.broadcast %reduce_max3A : i1 to vector<16xi1>
          %reduce_max3A_313 = tpu.scan <max>, %max3A_311 masked %reduce_max3A_312 : vector<16xf32>, vector<16xi1> -> vector<16xf32>
          %reduce_max3A_314 = vector.extract %reduce_max3A_313[15] : f32 from vector<16xf32>
          %iota3A = tpu.iota {dimensions = array<i32: 0>} : vector<16xi32>
          %broadcast_in_dim3A = arith.constant 64 : i32
          %broadcast_in_dim3A_315 = vector.broadcast %broadcast_in_dim3A : i32 to vector<16xi32>
          %eq3A_316 = vector.broadcast %reduce_max3A_314 : f32 to vector<16xf32>
          %eq3A_317 = arith.cmpf oeq, %get3A_288, %eq3A_316 : vector<16xf32>
          %select_n3A_318 = arith.select %eq3A_317, %iota3A, %broadcast_in_dim3A_315 : vector<16xi1>, vector<16xi32>
          %eq3A_319 = vector.broadcast %reduce_max3A_314 : f32 to vector<16xf32>
          %eq3A_320 = arith.cmpf oeq, %get3A_295, %eq3A_319 : vector<16xf32>
          %add3A_321 = arith.constant 16 : i32
          %add3A_322 = vector.broadcast %add3A_321 : i32 to vector<16xi32>
          %add3A_323 = arith.addi %iota3A, %add3A_322 : vector<16xi32>
          %select_n3A_324 = arith.select %eq3A_320, %add3A_323, %broadcast_in_dim3A_315 : vector<16xi1>, vector<16xi32>
          %eq3A_325 = vector.broadcast %reduce_max3A_314 : f32 to vector<16xf32>
          %eq3A_326 = arith.cmpf oeq, %get3A_302, %eq3A_325 : vector<16xf32>
          %add3A_327 = arith.constant 32 : i32
          %add3A_328 = vector.broadcast %add3A_327 : i32 to vector<16xi32>
          %add3A_329 = arith.addi %iota3A, %add3A_328 : vector<16xi32>
          %select_n3A_330 = arith.select %eq3A_326, %add3A_329, %broadcast_in_dim3A_315 : vector<16xi1>, vector<16xi32>
          %eq3A_331 = vector.broadcast %reduce_max3A_314 : f32 to vector<16xf32>
          %eq3A_332 = arith.cmpf oeq, %get3A_309, %eq3A_331 : vector<16xf32>
          %add3A_333 = arith.constant 48 : i32
          %add3A_334 = vector.broadcast %add3A_333 : i32 to vector<16xi32>
          %add3A_335 = arith.addi %iota3A, %add3A_334 : vector<16xi32>
          %select_n3A_336 = arith.select %eq3A_332, %add3A_335, %broadcast_in_dim3A_315 : vector<16xi1>, vector<16xi32>
          %min3A = arith.minsi %select_n3A_318, %select_n3A_324 : vector<16xi32>
          %min3A_337 = arith.minsi %select_n3A_330, %select_n3A_336 : vector<16xi32>
          %min3A_338 = arith.minsi %min3A, %min3A_337 : vector<16xi32>
          %reduce_min3A = arith.constant true
          %reduce_min3A_339 = vector.broadcast %reduce_min3A : i1 to vector<16xi1>
          %reduce_min3A_340 = arith.constant -2147483648 : i32
          %reduce_min3A_341 = vector.broadcast %reduce_min3A_340 : i32 to vector<16xi32>
          %reduce_min3A_342 = arith.xori %min3A_338, %reduce_min3A_341 : vector<16xi32>
          %reduce_min3A_343 = tpu.scan <min>, %reduce_min3A_342 masked %reduce_min3A_339 : vector<16xi32>, vector<16xi1> -> vector<16xi32>
          %reduce_min3A_344 = arith.xori %reduce_min3A_343, %reduce_min3A_341 : vector<16xi32>
          %reduce_min3A_345 = vector.extract %reduce_min3A_344[15] : i32 from vector<16xi32>
          %broadcast_in_dim3A_346 = vector.broadcast %reduce_min3A_345 : i32 to vector<16xi32>
          %swap3A = arith.constant 0 : i32
          %swap3A_347 = arith.constant 0 : i32
          %swap3A_348 = tpu.memref_slice %run_scoped3A_8[%rem3A_201, %swap3A, %swap3A_347] : memref<2x8x16xi32, #tpu.memory_space<vmem>> -> memref<1x8x16xi32, #tpu.memory_space<vmem>>
          %swap3A_349 = tpu.memref_squeeze %swap3A_348 : memref<1x8x16xi32, #tpu.memory_space<vmem>> -> memref<8x16xi32, #tpu.memory_space<vmem>>
          %swap3A_350 = arith.index_cast %add3A_282 : i32 to index
          %swap3A_351 = arith.constant 0 : index
          %swap3A_352 = tpu.vector_load %swap3A_349[%swap3A_350, %swap3A_351] {strides = array<i32>} : memref<8x16xi32, #tpu.memory_space<vmem>>, vector<16xi32>,
          tpu.vector_store %swap3A_349[%swap3A_350, %swap3A_351], %broadcast_in_dim3A_346 {strides = array<i32>} : memref<8x16xi32, #tpu.memory_space<vmem>>, vector<16xi32>,
        }
        %scan3A_206 = arith.constant 8 : i32
        "tpu.trace_stop"() : () -> ()
        %ne3A_207 = arith.cmpi ne, %add3A_131, %add3A_149 : i32
        %or3A_208 = arith.constant false
        %or3A_209 = arith.ori %or3A_208, %ne3A_207 : i1
        %or3A_210 = arith.constant false
        %or3A_211 = arith.ori %or3A_209, %or3A_210 : i1
        %or3A_212 = arith.ori %or3A_211, %eq3A_130 : i1
        %convert_element_type3A_213 = arith.extui %or3A_212 : i1 to i32
        %cond3A_214 = arith.constant 0 : i32
        %cond3A_215 = arith.cmpi ne, %convert_element_type3A_213, %cond3A_214 : i32
        scf.if %cond3A_215 {
        } else {
        }
        %and3A_216 = arith.constant false
        %and3A_217 = arith.andi %or3A_212, %and3A_216 : i1
        %ne3A_218 = arith.cmpi ne, %add3A_131, %add3A_149 : i32
        %or3A_219 = arith.constant false
        %or3A_220 = arith.ori %or3A_219, %ne3A_218 : i1
        %or3A_221 = arith.constant false
        %or3A_222 = arith.ori %or3A_220, %or3A_221 : i1
        %or3A_223 = arith.ori %or3A_222, %eq3A_130 : i1
        %convert_element_type3A_224 = arith.extui %or3A_223 : i1 to i32
        %cond3A_225 = arith.constant 0 : i32
        %cond3A_226 = arith.cmpi ne, %convert_element_type3A_224, %cond3A_225 : i32
        scf.if %cond3A_226 {
          "tpu.trace_start"() <{level = 10 : i32, message = "ep_copy_out"}> : () -> ()
          %rem3A_278 = arith.constant 2 : i32
          %rem3A_279 = arith.remui %scan3A_124, %rem3A_278 : i32
          %mul3A_280 = arith.constant 8 : i32
          %mul3A_281 = arith.muli %mul3A_280, %add3A_131 : i32
          %dma_start3A_282 = arith.constant 0 : i32
          %dma_start3A_283 = arith.constant 0 : i32
          %dma_start3A_284 = tpu.memref_slice %run_scoped3A_8[%rem3A_279, %dma_start3A_282, %dma_start3A_283] : memref<2x8x16xi32, #tpu.memory_space<vmem>> -> memref<1x8x16xi32, #tpu.memory_space<vmem>>
          %dma_start3A_285 = tpu.memref_squeeze %dma_start3A_284 : memref<1x8x16xi32, #tpu.memory_space<vmem>> -> memref<8x16xi32, #tpu.memory_space<vmem>>
          %dma_start3A_286 = arith.constant 0 : i32
          %dma_start3A_287 = tpu.memref_slice %arg3[%mul3A_281, %dma_start3A_286] : memref<2048x16xi32, #tpu.memory_space<hbm>> -> memref<8x16xi32, #tpu.memory_space<hbm>>
          %dma_start3A_288 = tpu.memref_slice %run_scoped3A_9[%rem3A_279] : memref<2x!tpu.dma_semaphore, #tpu.memory_space<semaphore_mem>> -> memref<1x!tpu.dma_semaphore, #tpu.memory_space<semaphore_mem>>
          %dma_start3A_289 = tpu.memref_squeeze %dma_start3A_288 : memref<1x!tpu.dma_semaphore, #tpu.memory_space<semaphore_mem>> -> memref<!tpu.dma_semaphore, #tpu.memory_space<semaphore_mem>>
          %dma_start3A_290 = arith.constant 0 : i32
          %dma_start3A_291 = tpu.memref_slice %arg3[%mul3A_281, %dma_start3A_290] : memref<2048x16xi32, #tpu.memory_space<hbm>> -> memref<8x16xi32, #tpu.memory_space<hbm>>
          %dma_start3A_292 = arith.constant 0 : i32
          %dma_start3A_293 = arith.constant 0 : i32
          %dma_start3A_294 = tpu.memref_slice %run_scoped3A_8[%rem3A_279, %dma_start3A_292, %dma_start3A_293] : memref<2x8x16xi32, #tpu.memory_space<vmem>> -> memref<1x8x16xi32, #tpu.memory_space<vmem>>
          %dma_start3A_295 = tpu.memref_squeeze %dma_start3A_294 : memref<1x8x16xi32, #tpu.memory_space<vmem>> -> memref<8x16xi32, #tpu.memory_space<vmem>>
          tpu.enqueue_dma source(%dma_start3A_295 : memref<8x16xi32, #tpu.memory_space<vmem>>) target(%dma_start3A_291 : memref<8x16xi32, #tpu.memory_space<hbm>>) target_semaphore(%dma_start3A_289 : memref<!tpu.dma_semaphore, #tpu.memory_space<semaphore_mem>>)
          "tpu.trace_stop"() : () -> ()
        } else {
        }
        %and3A_227 = arith.constant true
        %and3A_228 = arith.andi %or3A_223, %and3A_227 : i1
        %add3A_229 = arith.constant 1 : i32
        %add3A_230 = arith.addi %scan3A_124, %add3A_229 : i32
        %select_n3A_231 = arith.select %and3A_228, %add3A_230, %scan3A_124 : i32
        %ne3A_232 = arith.cmpi ne, %add3A_131, %add3A_140 : i32
        %or3A_233 = arith.constant false
        %or3A_234 = arith.ori %or3A_233, %ne3A_232 : i1
        %or3A_235 = arith.constant false
        %or3A_236 = arith.ori %or3A_234, %or3A_235 : i1
        %not3A_237 = arith.constant true
        %not3A_238 = arith.xori %eq3A_128, %not3A_237 : i1
        %and3A_239 = arith.andi %or3A_236, %not3A_238 : i1
        %convert_element_type3A_240 = arith.extui %and3A_239 : i1 to i32
        %cond3A_241 = arith.constant 0 : i32
        %cond3A_242 = arith.cmpi ne, %convert_element_type3A_240, %cond3A_241 : i32
        scf.if %cond3A_242 {
        } else {
        }
        %and3A_243 = arith.constant false
        %and3A_244 = arith.andi %and3A_239, %and3A_243 : i1
        %ne3A_245 = arith.cmpi ne, %add3A_131, %add3A_140 : i32
        %or3A_246 = arith.constant false
        %or3A_247 = arith.ori %or3A_246, %ne3A_245 : i1
        %or3A_248 = arith.constant false
        %or3A_249 = arith.ori %or3A_247, %or3A_248 : i1
        %not3A_250 = arith.constant true
        %not3A_251 = arith.xori %eq3A_128, %not3A_250 : i1
        %and3A_252 = arith.andi %or3A_249, %not3A_251 : i1
        %convert_element_type3A_253 = arith.extui %and3A_252 : i1 to i32
        %cond3A_254 = arith.constant 0 : i32
        %cond3A_255 = arith.cmpi ne, %convert_element_type3A_253, %cond3A_254 : i32
        scf.if %cond3A_255 {
          "tpu.trace_start"() <{level = 10 : i32, message = "ep_wait_out"}> : () -> ()
          %rem3A_278 = arith.constant 2 : i32
          %rem3A_279 = arith.remui %scan3A_125, %rem3A_278 : i32
          %mul3A_280 = arith.constant 8 : i32
          %mul3A_281 = arith.muli %mul3A_280, %add3A_140 : i32
          %dma_wait3A_282 = arith.constant 0 : i32
          %dma_wait3A_283 = arith.constant 0 : i32
          %dma_wait3A_284 = tpu.memref_slice %run_scoped3A_8[%rem3A_279, %dma_wait3A_282, %dma_wait3A_283] : memref<2x8x16xi32, #tpu.memory_space<vmem>> -> memref<1x8x16xi32, #tpu.memory_space<vmem>>
          %dma_wait3A_285 = tpu.memref_squeeze %dma_wait3A_284 : memref<1x8x16xi32, #tpu.memory_space<vmem>> -> memref<8x16xi32, #tpu.memory_space<vmem>>
          %dma_wait3A_286 = arith.constant 0 : i32
          %dma_wait3A_287 = tpu.memref_slice %arg3[%mul3A_281, %dma_wait3A_286] : memref<2048x16xi32, #tpu.memory_space<hbm>> -> memref<8x16xi32, #tpu.memory_space<hbm>>
          %dma_wait3A_288 = tpu.memref_slice %run_scoped3A_9[%rem3A_279] : memref<2x!tpu.dma_semaphore, #tpu.memory_space<semaphore_mem>> -> memref<1x!tpu.dma_semaphore, #tpu.memory_space<semaphore_mem>>
          %dma_wait3A_289 = tpu.memref_squeeze %dma_wait3A_288 : memref<1x!tpu.dma_semaphore, #tpu.memory_space<semaphore_mem>> -> memref<!tpu.dma_semaphore, #tpu.memory_space<semaphore_mem>>
          %dma_wait3A_290 = arith.constant 0 : i32
          %dma_wait3A_291 = tpu.memref_slice %arg3[%mul3A_281, %dma_wait3A_290] : memref<2048x16xi32, #tpu.memory_space<hbm>> -> memref<8x16xi32, #tpu.memory_space<hbm>>
          %dma_wait3A_292 = arith.constant 0 : i32
          %dma_wait3A_293 = arith.constant 0 : i32
          %dma_wait3A_294 = tpu.memref_slice %run_scoped3A_8[%rem3A_279, %dma_wait3A_292, %dma_wait3A_293] : memref<2x8x16xi32, #tpu.memory_space<vmem>> -> memref<1x8x16xi32, #tpu.memory_space<vmem>>
          %dma_wait3A_295 = tpu.memref_squeeze %dma_wait3A_294 : memref<1x8x16xi32, #tpu.memory_space<vmem>> -> memref<8x16xi32, #tpu.memory_space<vmem>>
          tpu.wait_dma2 semaphore(%dma_wait3A_289 : memref<!tpu.dma_semaphore, #tpu.memory_space<semaphore_mem>>) src(%dma_wait3A_295 : memref<8x16xi32, #tpu.memory_space<vmem>>) dst(%dma_wait3A_291 : memref<8x16xi32, #tpu.memory_space<hbm>>)
          "tpu.trace_stop"() : () -> ()
        } else {
        }
        %and3A_256 = arith.constant true
        %and3A_257 = arith.andi %and3A_252, %and3A_256 : i1
        %add3A_258 = arith.constant 1 : i32
        %add3A_259 = arith.addi %scan3A_125, %add3A_258 : i32
        %select_n3A_260 = arith.select %and3A_257, %add3A_259, %scan3A_125 : i32
        %ne3A_261 = arith.cmpi ne, %add3A_131, %add3A_149 : i32
        %or3A_262 = arith.constant false
        %or3A_263 = arith.ori %or3A_262, %ne3A_261 : i1
        %or3A_264 = arith.constant false
        %or3A_265 = arith.ori %or3A_263, %or3A_264 : i1
        %or3A_266 = arith.ori %or3A_265, %eq3A_130 : i1
        %add3A_267 = arith.constant 1 : i32
        %add3A_268 = arith.addi %scan3A_123, %add3A_267 : i32
        %select_n3A_269 = arith.select %or3A_266, %add3A_268, %scan3A_123 : i32
        %add3A_270 = arith.constant 1 : i32
        %add3A_271 = arith.addi %scan3A_126, %add3A_270 : i32
        %select_n3A_272 = arith.constant true
        %select_n3A_273 = arith.select %select_n3A_272, %add3A_271, %scan3A_126 : i32
        %eq3A_274 = arith.constant 8 : i32
        %eq3A_275 = arith.cmpi eq, %select_n3A_273, %eq3A_274 : i32
        %select_n3A_276 = arith.constant 0 : i32
        %select_n3A_277 = arith.select %eq3A_275, %select_n3A_276, %select_n3A_273 : i32
        scf.yield %select_n3A_169, %select_n3A_269, %select_n3A_231, %select_n3A_260, %select_n3A_277 : i32, i32, i32, i32, i32
      }
      %scan3A_68 = arith.constant 8 : i32
      %sub3A = arith.constant 1 : i32
      %sub3A_69 = arith.subi %scan3A_67#4, %sub3A : i32
      %select_n3A_70 = arith.constant true
      %select_n3A_71 = arith.select %select_n3A_70, %sub3A_69, %scan3A_67#4 : i32
      %eq3A_72 = arith.constant -1 : i32
      %eq3A_73 = arith.cmpi eq, %select_n3A_71, %eq3A_72 : i32
      %select_n3A_74 = arith.constant 7 : i32
      %select_n3A_75 = arith.select %eq3A_73, %select_n3A_74, %select_n3A_71 : i32
      %add3A_76 = arith.addi %select_n3A_75, %mul3A_6 : i32
      %sub3A_77 = arith.constant 1 : i32
      %sub3A_78 = arith.subi %select_n3A_75, %sub3A_77 : i32
      %select_n3A_79 = arith.constant true
      %select_n3A_80 = arith.select %select_n3A_79, %sub3A_78, %select_n3A_75 : i32
      %eq3A_81 = arith.constant -1 : i32
      %eq3A_82 = arith.cmpi eq, %select_n3A_80, %eq3A_81 : i32
      %select_n3A_83 = arith.constant 7 : i32
      %select_n3A_84 = arith.select %eq3A_82, %select_n3A_83, %select_n3A_80 : i32
      %add3A_85 = arith.addi %select_n3A_84, %mul3A_6 : i32
      %add3A_86 = arith.constant 1 : i32
      %add3A_87 = arith.addi %select_n3A_75, %add3A_86 : i32
      %select_n3A_88 = arith.constant true
      %select_n3A_89 = arith.select %select_n3A_88, %add3A_87, %select_n3A_75 : i32
      %eq3A_90 = arith.constant 8 : i32
      %eq3A_91 = arith.cmpi eq, %select_n3A_89, %eq3A_90 : i32
      %select_n3A_92 = arith.constant 0 : i32
      %select_n3A_93 = arith.select %eq3A_91, %select_n3A_92, %select_n3A_89 : i32
      %add3A_94 = arith.addi %select_n3A_93, %mul3A_6 : i32
      %add3A_95 = arith.constant 1 : i32
      %add3A_96 = arith.addi %select_n3A_93, %add3A_95 : i32
      %select_n3A_97 = arith.constant true
      %select_n3A_98 = arith.select %select_n3A_97, %add3A_96, %select_n3A_93 : i32
      %eq3A_99 = arith.constant 8 : i32
      %eq3A_100 = arith.cmpi eq, %select_n3A_98, %eq3A_99 : i32
      %select_n3A_101 = arith.constant 0 : i32
      %select_n3A_102 = arith.select %eq3A_100, %select_n3A_101, %select_n3A_98 : i32
      %add3A_103 = arith.addi %select_n3A_102, %mul3A_6 : i32
      "tpu.trace_start"() <{level = 10 : i32, message = "ep_finalize"}> : () -> ()
      %rem3A_104 = arith.constant 2 : i32
      %rem3A_105 = arith.remui %scan3A_67#3, %rem3A_104 : i32
      %mul3A_106 = arith.constant 8 : i32
      %mul3A_107 = arith.muli %mul3A_106, %add3A_76 : i32
      %dma_wait3A = arith.constant 0 : i32
      %dma_wait3A_108 = arith.constant 0 : i32
      %dma_wait3A_109 = tpu.memref_slice %run_scoped3A_8[%rem3A_105, %dma_wait3A, %dma_wait3A_108] : memref<2x8x16xi32, #tpu.memory_space<vmem>> -> memref<1x8x16xi32, #tpu.memory_space<vmem>>
      %dma_wait3A_110 = tpu.memref_squeeze %dma_wait3A_109 : memref<1x8x16xi32, #tpu.memory_space<vmem>> -> memref<8x16xi32, #tpu.memory_space<vmem>>
      %dma_wait3A_111 = arith.constant 0 : i32
      %dma_wait3A_112 = tpu.memref_slice %arg3[%mul3A_107, %dma_wait3A_111] : memref<2048x16xi32, #tpu.memory_space<hbm>> -> memref<8x16xi32, #tpu.memory_space<hbm>>
      %dma_wait3A_113 = tpu.memref_slice %run_scoped3A_9[%rem3A_105] : memref<2x!tpu.dma_semaphore, #tpu.memory_space<semaphore_mem>> -> memref<1x!tpu.dma_semaphore, #tpu.memory_space<semaphore_mem>>
      %dma_wait3A_114 = tpu.memref_squeeze %dma_wait3A_113 : memref<1x!tpu.dma_semaphore, #tpu.memory_space<semaphore_mem>> -> memref<!tpu.dma_semaphore, #tpu.memory_space<semaphore_mem>>
      %dma_wait3A_115 = arith.constant 0 : i32
      %dma_wait3A_116 = tpu.memref_slice %arg3[%mul3A_107, %dma_wait3A_115] : memref<2048x16xi32, #tpu.memory_space<hbm>> -> memref<8x16xi32, #tpu.memory_space<hbm>>
      %dma_wait3A_117 = arith.constant 0 : i32
      %dma_wait3A_118 = arith.constant 0 : i32
      %dma_wait3A_119 = tpu.memref_slice %run_scoped3A_8[%rem3A_105, %dma_wait3A_117, %dma_wait3A_118] : memref<2x8x16xi32, #tpu.memory_space<vmem>> -> memref<1x8x16xi32, #tpu.memory_space<vmem>>
      %dma_wait3A_120 = tpu.memref_squeeze %dma_wait3A_119 : memref<1x8x16xi32, #tpu.memory_space<vmem>> -> memref<8x16xi32, #tpu.memory_space<vmem>>
      tpu.wait_dma2 semaphore(%dma_wait3A_114 : memref<!tpu.dma_semaphore, #tpu.memory_space<semaphore_mem>>) src(%dma_wait3A_120 : memref<8x16xi32, #tpu.memory_space<vmem>>) dst(%dma_wait3A_116 : memref<8x16xi32, #tpu.memory_space<hbm>>)
      "tpu.trace_stop"() : () -> ()
      tpu.yield
    }) : () -> ()
    return
  }
}

module attributes {stable_mosaic.version = 14 : i64} {
  func.func @_router_kernel(%arg0: memref<2048x768xf32, #tpu.memory_space<vmem>>, %arg1: memref<64x768xf32, #tpu.memory_space<vmem>>, %arg2: memref<2048x64xf32, #tpu.memory_space<vmem>>) attributes {dimension_semantics = [], scalar_prefetch = 0 : i64, scratch_operands = 0 : i64, tpu.core_type = #tpu.core_type<tc>} {
    %get3A = arith.constant 0 : index
    %get3A_0 = arith.constant 0 : index
    %get3A_1 = vector.load %arg0[%get3A, %get3A_0] : memref<2048x768xf32, #tpu.memory_space<vmem>>, vector<2048x768xf32>
    %convert_element_type3A = arith.truncf %get3A_1 : vector<2048x768xf32> to vector<2048x768xbf16>
    %get3A_2 = arith.constant 0 : index
    %get3A_3 = arith.constant 0 : index
    %get3A_4 = vector.load %arg1[%get3A_2, %get3A_3] : memref<64x768xf32, #tpu.memory_space<vmem>>, vector<64x768xf32>
    %convert_element_type3A_5 = arith.truncf %get3A_4 : vector<64x768xf32> to vector<64x768xbf16>
    %dot_general3A = arith.constant dense<0.000000e+00> : vector<2048x64xf32>
    %dot_general3A_6 = tpu.matmul %convert_element_type3A, %convert_element_type3A_5, %dot_general3A {dimension_numbers = #tpu.dot_dimension_numbers<[1], [1], [0], [0], [0, 0, 1, 0], [], []>, transpose_lhs_hint = false} : vector<2048x768xbf16>, vector<64x768xbf16>, vector<2048x64xf32> -> vector<2048x64xf32>
    %swap3A = arith.constant 0 : index
    %swap3A_7 = arith.constant 0 : index
    %swap3A_8 = vector.load %arg2[%swap3A, %swap3A_7] : memref<2048x64xf32, #tpu.memory_space<vmem>>, vector<2048x64xf32>
    tpu.vector_store %arg2[%swap3A, %swap3A_7], %dot_general3A_6 {strides = array<i32>} : memref<2048x64xf32, #tpu.memory_space<vmem>>, vector<2048x64xf32>,
    return
  }
}

module attributes {stable_mosaic.version = 14 : i64} {
  func.func @_moe_dense_kernel(%arg0: i32, %arg1: memref<512x768xf32, #tpu.memory_space<vmem>>, %arg2: memref<512x16xi32, #tpu.memory_space<vmem>>, %arg3: memref<768x3072xbf16, #tpu.memory_space<vmem>>, %arg4: memref<3072x768xf32, #tpu.memory_space<vmem>>, %arg5: memref<512x768xf32, #tpu.memory_space<vmem>>) attributes {dimension_semantics = [#tpu.dimension_semantics<parallel>], iteration_bounds = array<i64: 4>, scalar_prefetch = 0 : i64, scratch_operands = 0 : i64, tpu.core_type = #tpu.core_type<tc>, window_params = [{transform_indices = @transform_0, window_bounds = array<i64: 512, 768>}, {transform_indices = @transform_1, window_bounds = array<i64: 512, 16>}, {pipeline_mode = #tpu.pipeline_mode<synchronous>, transform_indices = @transform_2, window_bounds = array<i64: 768, 3072>}, {pipeline_mode = #tpu.pipeline_mode<synchronous>, transform_indices = @transform_3, window_bounds = array<i64: 3072, 768>}, {transform_indices = @transform_4, window_bounds = array<i64: 512, 768>}]} {
    %get3A = arith.constant 0 : index
    %get3A_0 = arith.constant 0 : index
    %get3A_1 = vector.load %arg1[%get3A, %get3A_0] : memref<512x768xf32, #tpu.memory_space<vmem>>, vector<512x768xf32>
    %convert_element_type3A = arith.truncf %get3A_1 : vector<512x768xf32> to vector<512x768xbf16>
    %get3A_2 = arith.constant 0 : index
    %get3A_3 = arith.constant 0 : index
    %get3A_4 = vector.load %arg2[%get3A_2, %get3A_3] : memref<512x16xi32, #tpu.memory_space<vmem>>, vector<512x16xi32>
    %slice3A = vector.extract_strided_slice %get3A_4 {offsets = [0, 0], sizes = [512, 1], strides = [1, 1]} : vector<512x16xi32> to vector<512x1xi32>
    %mul3A = arith.constant 48 : i32
    %mul3A_5 = vector.broadcast %mul3A : i32 to vector<512x1xi32>
    %mul3A_6 = arith.muli %slice3A, %mul3A_5 : vector<512x1xi32>
    %get3A_7 = arith.constant 0 : index
    %get3A_8 = arith.constant 0 : index
    %get3A_9 = vector.load %arg3[%get3A_7, %get3A_8] : memref<768x3072xbf16, #tpu.memory_space<vmem>>, vector<768x3072xbf16>
    %dot_general3A = arith.constant dense<0.000000e+00> : vector<512x3072xf32>
    %dot_general3A_10 = tpu.matmul %convert_element_type3A, %get3A_9, %dot_general3A {dimension_numbers = #tpu.dot_dimension_numbers<[1], [0], [0], [1], [0, 0, 1, 1], [], []>, transpose_lhs_hint = false} : vector<512x768xbf16>, vector<768x3072xbf16>, vector<512x3072xf32> -> vector<512x3072xf32>
    %max3A = arith.constant 0.000000e+00 : f32
    %max3A_11 = vector.broadcast %max3A : f32 to vector<512x3072xf32>
    %max3A_12 = arith.maximumf %dot_general3A_10, %max3A_11 : vector<512x3072xf32>
    %mul3A_13 = arith.mulf %max3A_12, %max3A_12 : vector<512x3072xf32>
    %iota3A = tpu.iota {dimensions = array<i32: 1>} : vector<512x3072xi32>
    %sub3A = vector.broadcast %mul3A_6 : vector<512x1xi32> to vector<512x3072xi32>
    %sub3A_14 = arith.subi %iota3A, %sub3A : vector<512x3072xi32>
    %lt3A = arith.constant 48 : i32
    %lt3A_15 = vector.broadcast %lt3A : i32 to vector<512x3072xi32>
    %lt3A_16 = arith.cmpi ult, %sub3A_14, %lt3A_15 : vector<512x3072xi32>
    %jit3A = arith.constant 0.000000e+00 : f32
    %broadcast_in_dim3A = vector.broadcast %jit3A : f32 to vector<512x3072xf32>
    %select_n3A = arith.select %lt3A_16, %mul3A_13, %broadcast_in_dim3A : vector<512x3072xi1>, vector<512x3072xf32>
    %convert_element_type3A_17 = arith.truncf %select_n3A : vector<512x3072xf32> to vector<512x3072xbf16>
    %get3A_18 = arith.constant 0 : index
    %get3A_19 = arith.constant 0 : index
    %get3A_20 = vector.load %arg4[%get3A_18, %get3A_19] : memref<3072x768xf32, #tpu.memory_space<vmem>>, vector<3072x768xf32>
    %convert_element_type3A_21 = arith.truncf %get3A_20 : vector<3072x768xf32> to vector<3072x768xbf16>
    %dot_general3A_22 = arith.constant dense<0.000000e+00> : vector<512x768xf32>
    %dot_general3A_23 = tpu.matmul %convert_element_type3A_17, %convert_element_type3A_21, %dot_general3A_22 {dimension_numbers = #tpu.dot_dimension_numbers<[1], [0], [0], [1], [0, 0, 1, 1], [], []>, transpose_lhs_hint = false} : vector<512x3072xbf16>, vector<3072x768xbf16>, vector<512x768xf32> -> vector<512x768xf32>
    %swap3A = arith.constant 0 : index
    %swap3A_24 = arith.constant 0 : index
    %swap3A_25 = vector.load %arg5[%swap3A, %swap3A_24] : memref<512x768xf32, #tpu.memory_space<vmem>>, vector<512x768xf32>
    tpu.vector_store %arg5[%swap3A, %swap3A_24], %dot_general3A_23 {strides = array<i32>} : memref<512x768xf32, #tpu.memory_space<vmem>>, vector<512x768xf32>,
    return
  }
  func.func @transform_0(%arg0: i32) -> (i32, i32) {
    %c0_i32 = arith.constant 0 : i32
    %c0_i32_0 = arith.constant 0 : i32
    return %arg0, %c0_i32 : i32, i32
  }
  func.func @transform_1(%arg0: i32) -> (i32, i32) {
    %c0_i32 = arith.constant 0 : i32
    %c0_i32_0 = arith.constant 0 : i32
    return %arg0, %c0_i32 : i32, i32
  }
  func.func @transform_2(%arg0: i32) -> (i32, i32) {
    %c0_i32 = arith.constant 0 : i32
    %c0_i32_0 = arith.constant 0 : i32
    %c0_i32_1 = arith.constant 0 : i32
    return %c0_i32, %c0_i32_0 : i32, i32
  }
  func.func @transform_3(%arg0: i32) -> (i32, i32) {
    %c0_i32 = arith.constant 0 : i32
    %c0_i32_0 = arith.constant 0 : i32
    %c0_i32_1 = arith.constant 0 : i32
    return %c0_i32, %c0_i32_0 : i32, i32
  }
  func.func @transform_4(%arg0: i32) -> (i32, i32) {
    %c0_i32 = arith.constant 0 : i32
    %c0_i32_0 = arith.constant 0 : i32
    return %arg0, %c0_i32 : i32, i32
  }
}

</mosaic_0001>

<sc_bundles>
// kernel: kernel.5.cloned.1.call-start
scs
__scs_entry_jumppad:
0x0: {  	(pc) =	sbr.rel $0x88, $3  }
0x1: {  	(tag) =	ssettag $0x0;
	lr =	simm.s32 $0x1  }
0x2: {  	[smem:$0x3F9D] =	sst lr;
	_ =	strace $0xD0000000  }
0x3: {  	_ = 	snop  }
0x4: {  	_ = 	snop  }
0x5: {  	_ = 	snop  }
0x6: {  	_ = 	snop  }
0x7: {  	_ = 	snop  }
__scs_overlays_trampoline_lowered:
0x8: {  	[smem:$0x3FAC] =	sst s0  }
0x9: {  	[smem:$0x3FAD] =	sst s1  }
0xa: {  	[smem:$0x3FAE] =	sst s2  }
0xb: {  	[smem:$0x3FAF] =	sst s3  }
0xc: {  	[smem:$0x3FB0] =	sst s4  }
0xd: {  	[smem:$0x3FB1] =	sst s5  }
0xe: {  	[smem:$0x3FB2] =	sst s6  }
0xf: {  	[smem:$0x3FB3] =	sst s7  }
0x10: {  	[smem:$0x3FB4] =	sst s8  }
0x11: {  	[smem:$0x3FB5] =	sst s9;
	s0 =	simm.s32 @!p0 $0x0  }
0x12: {  	s1 =	sld [smem:$0x3F9B];
	s0 =	simm.s32 @p0 $0x1  }
0x13: {  	[smem:$0x3FB6] =	sst s0;
	s0 =	simm.s32 @!p1 $0x0  }
0x14: {  	s2 =	sld [smem:$0x3F9A];
	s0 =	simm.s32 @p1 $0x1  }
0x15: {  	[smem:$0x3FB7] =	sst s0;
	s0 =	simm.s32 @!p2 $0x0  }
0x16: {  	s3 =	sld [smem:$0x3FDB];
	s0 =	simm.s32 @p2 $0x1  }
0x17: {  	s4 =	simm.s32 $0x1BF5;
	[smem:$0x3FB9] =	sst s0  }
0x18: {  	s0 =	sld [smem:$0x3F9C];
	_ =	swait.ge [sflag:s4], $0x0  }
0x19: {  	s7 =	sld [smem:$0x3F9D]  }
0x1a: {  	s8 =	sadd.s32 $0xFFFFE003, lr  }
0x1b: {  	s9 =	sadd.s32 $0xFFFFFEF7, lr;
	s5 =	simm.s32 $0xFFFFFFFF;
	p2 =	slt.u32 s8, $0xFFFFF086  }
0x1c: {  	p1 =	slt.u32 s9, $0xF7A;
	s5 =	simm.s32 @!p2 $0x0  }
0x1d: {  	s5 =	simm.s32 @p1 $0x1;
	p0 =	seq.s32 s7, s2  }
0x1e: {  	s7 =	smul.u32 @!p0 $0xF7A, s2;
	p2 =	seq.s32 @!p0 s5, $0x0  }
0x1f: {  	s9 =	smul.u32 $0xF7A, s1;
	s8 =	simm.s32 @!p0 $0x1BF5;
	p2 =	por !p2, p0  }
0x20: {  	[sflag:s8] =	ssyncset.s32 @!p0 $0xFFFFF086;
	s6 =	sadd.s32 @!p0 s3, s7;
	s7 =	simm.s32 @!p0 $0x108  }
0x21: {  	s3 =	sadd.s32 s3, s9;
	s6 =	sadd.s32 @!p0 $0x88, s6;
	s7 =	simm.s32 @p2 $0x1082  }
0x22: {  	[simem:s7], [sflag:s8] =	dma.local @!p0 [hbm:s6], $0xF7A  }
0x23: {  	s9 =	sor.u32 $0xD0000000, s2;
	s6 =	simm.s32 $0x108;
	_ =	swait.ge @!p0 [sflag:s8], $0x0  }
0x24: {  	s3 =	sadd.s32 $0x88, s3;
	s6 =	simm.s32 @!p1 $0x1082;
	[sflag:s4] =	ssyncset.s32 $0xFFFFF086  }
0x25: {  	[simem:s6], [sflag:s4] =	dma.local [hbm:s3], $0xF7A  }
0x26: {  	[smem:$0x3F9D] =	sst s1;
	(tag) =	ssettag s2;
	_ =	strace s9  }
0x27: {  	s1 =	sld [smem:$0x3FAD]  }
0x28: {  	s2 =	sld [smem:$0x3FAE]  }
0x29: {  	s4 =	sld [smem:$0x3FB0]  }
0x2a: {  	p0 =	seq.s32 s5, $0x0;
	s5 =	sld [smem:$0x3FB1]  }
0x2b: {  	s6 =	sld [smem:$0x3FB2]  }
0x2c: {  	s7 =	sld [smem:$0x3FB3]  }
0x2d: {  	s3 =	simm.s32 $0x108;
	s8 =	sld [smem:$0x3FB4]  }
0x2e: {  	s3 =	simm.s32 @!p0 $0x1082;
	s9 =	sld [smem:$0x3FB5]  }
0x2f: {  	lr =	sadd.s32 s0, s3;
	s0 =	sld [smem:$0x3FAC]  }
0x30: {  	s3 =	sld [smem:$0x3FAF]  }
0x31: {  	[smem:$0x3FB8] =	sst s10  }
0x32: {  	s10 =	sld [smem:$0x3FB6];
	_ =	sdelay $0x3  }
0x33: {  	p0 =	seq.s32 s10, $0x1;
	s10 =	sld [smem:$0x3FB8];
	_ =	sdelay $0x3  }
0x34: {  	[smem:$0x3FB8] =	sst s10  }
0x35: {  	s10 =	sld [smem:$0x3FB7];
	_ =	sdelay $0x3  }
0x36: {  	p1 =	seq.s32 s10, $0x1;
	s10 =	sld [smem:$0x3FB8];
	_ =	sdelay $0x3  }
0x37: {  	[smem:$0x3FB8] =	sst s10  }
0x38: {  	s10 =	sld [smem:$0x3FB9]  }
0x39: {  	_ = 	snop;
	(pc) =	sbr.ind lr, $3  }
0x3a: {  	_ = 	snop  }
0x3b: {  	_ = 	snop  }
0x3c: {  	p2 =	seq.s32 s10, $0x1;
	s10 =	sld [smem:$0x3FB8]  }
0x3d: {  	_ =	shalt  }
0x3e: {  	_ =	shalt  }
0x3f: {  	_ =	shalt  }
0x40: {  	_ =	shalt  }
0x41: {  	_ =	shalt  }
0x42: {  	_ =	shalt  }
0x43: {  	_ =	shalt  }
0x44: {  	_ =	shalt  }
0x45: {  	_ =	shalt  }
0x46: {  	_ =	shalt  }
0x47: {  	_ =	shalt  }
0x48: {  	_ =	shalt  }
0x49: {  	_ =	shalt  }
0x4a: {  	_ =	shalt  }
0x4b: {  	_ =	shalt  }
0x4c: {  	_ =	shalt  }
0x4d: {  	_ =	shalt  }
0x4e: {  	_ =	shalt  }
0x4f: {  	_ =	shalt  }
0x50: {  	_ =	shalt  }
0x51: {  	_ =	shalt  }
0x52: {  	_ =	shalt  }
0x53: {  	_ =	shalt  }
0x54: {  	_ =	shalt  }
0x55: {  	_ =	shalt  }
0x56: {  	_ =	shalt  }
0x57: {  	_ =	shalt  }
0x58: {  	_ =	shalt  }
0x59: {  	_ =	shalt  }
0x5a: {  	_ =	shalt  }
0x5b: {  	_ =	shalt  }
0x5c: {  	_ =	shalt  }
0x5d: {  	_ =	shalt  }
0x5e: {  	_ =	shalt  }
0x5f: {  	_ =	shalt  }
0x60: {  	_ =	shalt  }
0x61: {  	_ =	shalt  }
0x62: {  	_ =	shalt  }
0x63: {  	_ =	shalt  }
0x64: {  	_ =	shalt  }
0x65: {  	_ =	shalt  }
0x66: {  	_ =	shalt  }
0x67: {  	_ =	shalt  }
0x68: {  	_ =	shalt  }
0x69: {  	_ =	shalt  }
0x6a: {  	_ =	shalt  }
0x6b: {  	_ =	shalt  }
0x6c: {  	_ =	shalt  }
0x6d: {  	_ =	shalt  }
0x6e: {  	_ =	shalt  }
0x6f: {  	_ =	shalt  }
0x70: {  	_ =	shalt  }
0x71: {  	_ =	shalt  }
0x72: {  	_ =	shalt  }
0x73: {  	_ =	shalt  }
0x74: {  	_ =	shalt  }
0x75: {  	_ =	shalt  }
0x76: {  	_ =	shalt  }
0x77: {  	_ =	shalt  }
0x78: {  	_ =	shalt  }
0x79: {  	_ =	shalt  }
0x7a: {  	_ =	shalt  }
0x7b: {  	_ =	shalt  }
0x7c: {  	_ =	shalt  }
0x7d: {  	_ =	shalt  }
0x7e: {  	_ =	shalt  }
0x7f: {  	_ =	shalt  }
0x80: {  	_ =	shalt  }
0x81: {  	_ =	shalt  }
0x82: {  	_ =	shalt  }
0x83: {  	_ =	shalt  }
0x84: {  	_ =	shalt  }
0x85: {  	_ =	shalt  }
0x86: {  	_ =	shalt  }
0x87: {  	_ =	shalt  }
.Lfunc_end0:
.L_simem_size_0:
called_computation_lowered:
.L_overlay_start_0:
0x88: {  	s2 =	sld [smem:$0x3FD9]  }
0x89: {  	s3 =	sld [smem:$0x3FFE];
	_ =	sdelay $0x1  }
0x8a: {  	s1 =	srdreg.scid  }
0x8b: {  	s0 =	sand.u32 $0x1, s1  }
0x8c: {  	s17 =	sshll.u32 s0, $0xA;
	s2 =	sadd.s32 s3, s2  }
0x8d: {  	s2 =	sadd.s32 s2, s17  }
0x8e: {  	[smem:$0x3FC4] =	sst s2  }
0x8f: {  	_ = 	snop  }
0x90: {  	s2 =	sld [smem:$0x3FD0];
	(tm) =	ssettm $0x1  }
0x91: {  	s18 =	sld [smem:$0x3FFB];
	_ =	sdelay $0x3  }
0x92: {  	_ =	strace s18  }
0x93: {  	s3 =	sld [smem:$0x3FFC];
	_ =	sdelay $0x3  }
0x94: {  	_ =	strace s3  }
0x95: {  	s3 =	sld [smem:$0x3FFD];
	_ =	sdelay $0x3  }
0x96: {  	_ =	strace s3  }
0x97: {  	_ =	strace $0x8FFFFFFF  }
0x98: {  	s19 =	sld [smem:$0x3FDB];
	_ =	sdelay $0x1  }
0x99: {  	s4 =	simm.s32 $_scs_section_size  }
0x9a: {  	s5 =	simm.s32 $_size__tile_overlayer_lowered;
	s6 =	simm.s32 $_tile_overlayer_lowered  }
0x9b: {  	s22 =	simm.s32 $0x1BFF;
	s21 =	sshll.u32 s6, $0x1;
	s3 =	sadd.s32 s4, s19  }
0x9c: {  	s7 =	simm.s32 $0x0;
	s20 =	sshll.u32 s5, $0x1;
	s5 =	sadd.s32 s21, s3  }
0x9d: {  	[timem:s7], [sflag:s22] =	dma.local [hbm:s5], s20  }
0x9e: {  	_ =	swait.ge [sflag:s22], s20  }
0x9f: {  	s4 =	ssub.s32 $0x0, s20;
	[sflag:s22] =	ssyncset.done $0x0  }
0xa0: {  	[sflag:s22] =	ssyncadd.s32 s4;
	_ =	sdelay $0x1  }
0xa1: {  	s23 =	simm.s32 $0x1B8B  }
0xa2: {  	_ =	swait.ge [sflag:s23], $0x1  }
0xa3: {  	[sflag:s23] =	ssyncset.done $0x0  }
0xa4: {  	s25 =	simm.s32 $0x1B8E;
	s24 =	sld [smem:$0x3FFE];
	[sflag:s23] =	ssyncadd.s32 $0xFFFFFFFF  }
0xa5: {  	s26 =	simm.s32 $execute0_lowered;
	[smem:$0x3FD2] =	sst s25  }
0xa6: {  	s5 =	sshll.u32 s26, $0x1;
	_ =	strace $0x80000046;
	[dreg:$0x1] =	wrdreg $0xFFFFFFFF  }
0xa7: {  	s28 =	simm.s32 $_size_execute0_lowered;
	s3 =	sadd.s32 s3, s5;
	[dreg:$0x0] =	wrdreg $0x0  }
0xa8: {  	s5 =	sshll.u32 s28, $0x1;
	[dreg:$0x2] =	wrdreg s3  }
0xa9: {  	[dreg:$0x3] =	wrdreg s5  }
0xaa: {  	[dreg:$0x4] =	wrdreg $0xC0  }
0xab: {  	_ =	task [dreg:s7], $0x5FFFF  }
0xac: {  	[dreg:$0x1] =	wrdreg $0xFFFFFFFF  }
0xad: {  	[dreg:$0x0] =	wrdreg $0x60  }
0xae: {  	[dreg:$0x2] =	wrdreg s2  }
0xaf: {  	[dreg:$0x3] =	wrdreg s24  }
0xb0: {  	[dreg:$0x4] =	wrdreg $0x9  }
0xb1: {  	_ =	task.clear_ibuf [dreg:s7], $0x5FFFF;
	_ =	strace $0x90000046  }
0xb2: {  	s29 =	simm.s32 $0x9;
	_ =	strace $0x8000004F  }
0xb3: {  	_ =	swait.ge [sflag:s29], $0x1  }
0xb4: {  	[sflag:s29] =	ssyncadd.s32 $0xFFFFFFFF  }
0xb5: {  	_ =	strace $0x9000004F  }
0xb6: {  	_ =	sfence  }
0xb7: {  	s30 =	sld [smem:$0x0];
	_ =	sdelay $0x2  }
0xb8: {  	s31 =	sshll.u32 s1, $0xD;
	s1 =	sshrl.u32 s1, $0x2  }
0xb9: {  	s3 =	sand.u32 $0x4000, s31;
	s1 =	sadd.s32 s1, s30  }
0xba: {  	s0 =	sor.u32 s3, s0;
	s1 =	sshll.u32 s1, $0x11  }
0xbb: {  	s0 =	sor.u32 s1, s0  }
0xbc: {  	s0 =	sadd.s32 $0x8F2B, s0  }
0xbd: {  	[sflag:s0] =	ssyncadd.remote.s32 $0x1  }
0xbe: {  	_ =	sfence.sel $0xFFFF  }
0xbf: {  	[dreg:$0x0] =	wrdreg $0xFFFFFFFF;
	(pc) =	sbr.abs _section_cstart, $3  }
0xc0: {  	[dreg:$0x1] =	wrdreg $0xFFFFFFFF  }
0xc1: {  	_ =	task.clear_ibuf [dreg:s7], $0x2FFFF;
	_ =	strace $0x9FFFFFFF  }
0xc2: {  	(tm) =	ssettm $0x7FFFFFFF  }
0xc3: {  	_ =	shalt  }
tec
execute0_lowered:
.L_overlay_start_1:
0x0: {  	(tag) =	ssettag $0x1  }
0x1: {  	s1 =	rddreg [dreg:$0x0]  }
0x2: {  	s4 =	rddreg [dreg:$0x1];
	s2 =	srdreg.scid  }
0x3: {  	s0 =	rddreg [dreg:$0x2];
	s3 =	simm.s32 $0x0;
	s9 =	simm.s32 $0x0  }
0x4: {  	s5 =	sand.u32 $0x1, s2;
	[smem:$0x7FF] =	sst s3;
	s2 =	stileid.u32  }
0x5: {  	s4 =	sadd.s32 $0x1800, s4;
	s6 =	sshll.u32 s5, $0x4;
	s5 =	ssub.s32 $0x2, s5  }
0x6: {  	v3 =	vlaneseq.u32;
	_ =	strace $0x80000047;
	s6 =	sor.u32 s2, s6;
	s7 =	sshrl.u32 s5, $0x1  }
0x7: {  	v0 =	vor.u32 $0x80000030, v3;
	s8 =	sshll.u32 s6, $0xA;
	s7 =	ssub.s32 s5, s7;
	s5 =	sshll.u32 s6, $0x3  }
0x8: {  	v1 =	vor.u32 $0x80000020, v3;
	v2 =	vor.u32 $0x80000010, v3;
	v3 =	vor.u32 $0x80000000, v3;
	s6 =	sadd.s32 s1, s8;
	s7 =	smax.u32 s7, $0x1;
	s8 =	simm.s32 $0x4  }
.LBB2_1:
0x9: {  	_ =	strace $0x80000048;
	s10 =	simm.s32 $0x0  }
0xa: {  	s11 =	simm.s32 $0x0;
	s12 =	simm.s32 $0x0;
	s13 =	simm.s32 $0x0  }
0xb: {  	[tilespmem:s3], [sflag:$0x1] =	stream.linear.gather [hbm4b:s6+s3], $0x400, $0x200038;
	[tilespmem:$0x1000] =	vst v63  }
0xc: {  	s14 =	simm.s32 $0x1;
	s15 =	simm.s32 $0x0;
	_ =	strace $0x90000048  }
.LBB2_2:
0xd: {  	s18 =	smov.u32 s10;
	s10 =	sadd.s32 $0x1, s10  }
0xe: {  	p0 =	seq.s32 s10, $0x8  }
0xf: {  	s10 =	simm.s32 @p0 $0x0  }
0x10: {  	p6 =	sne.s32 s15, $0x7;
	p1 =	sne.s32 s18, s10  }
0x11: {  	p0 =	por !p6, !p1  }
0x12: {  	p0 =	por !p0, !p0  }
0x13: {  	s16 =	sadd.s32 @p0 s5, s10  }
0x14: {  	_ =	strace @p0 $0x80000049;
	s16 =	sshll.u32 @p0 s16, $0x7  }
0x15: {  	s17 =	sand.u32 @p0 $0x1, s14;
	s20 =	simm.s32 @p0 $0x0;
	s16 =	sand.u32 @p0 $0x1FFFFF80, s16  }
0x16: {  	s19 =	sshll.u32 @p0 s17, $0xA;
	s17 =	sadd.s32 @p0 $0x1, s17;
	s16 =	sadd.s32 @p0 s1, s16  }
0x17: {  	[tilespmem:s19], [sflag:s17] =	stream.linear.gather @p0 [hbm4b:s16+s20], $0x400, $0x200038;
	[tilespmem:$0x1000] =	vst v63  }
0x18: {  	s29 =	sand.u32 $0x1, s13;
	s30 =	sshll.u32 s13, $0xA;
	_ =	strace @p0 $0x90000049  }
0x19: {  	s16 =	sadd.s32 $0x1, s29;
	s17 =	sand.u32 $0x400, s30;
	_ =	strace $0x8000004A  }
0x1a: {  	v5 =	vmov s17;
	_ =	swait.ge [sflag:s16], $0x400  }
0x1b: {  	[sflag:s16] =	ssyncset.done $0x0  }
0x1c: {  	[sflag:s16] =	ssyncadd.s32 $0xFFFFFC00  }
0x1d: {  	_ =	strace $0x9000004A  }
0x1e: {  	s19 =	simm.s32 $0x0;
	s16 =	sand.u32 $0x1, s12;
	_ =	strace $0x8000004B  }
0x1f: {  	s31 =	sshll.u32 s16, $0xA;
	v6 =	vld.idx.msk [tilespmem:v5+s19+$0x30 ss:$0x1], $0xffff  }
0x20: {  	s17 =	sor.u32 $0x800, s31;
	v8 =	vld.idx.msk [tilespmem:v5+s19+$0x20 ss:$0x1], $0xffff  }
0x21: {  	s18 =	sadd.s32 s5, s18;
	s20 =	simm.s32 $0x200;
	v4 =	vmov s17;
	v7 =	vld.idx.msk [tilespmem:v5+s19+$0x10 ss:$0x1], $0xffff  }
.LBB2_3:
0x22: {  	p2 =	sne.s32 s20, $0xE00;
	v9 =	vld.idx.msk [tilespmem:v5+s19+$0x0 ss:$0x1], $0xffff;
	_ =	sdelay $0x5  }
0x23: {  	v11 =	vmax.f32 v8, v6;
	v10 =	vmax.f32 v9, v7  }
0x24: {  	v10 =	vmax.f32 v10, v11  }
0x25: {  	(xrf0) =	vmax.scan.msk.f32 $0xffff, v10;
	_ =	sdelay $0x5  }
0x26: {  	v10, _, _ =	vpop (xrf0)  }
0x27: {  	v10 =	vbroadcast v10, $0xF;
	_ =	sdelay $0x1  }
0x28: {  	vm0 =	veq.f32 v6, v10  }
0x29: {  	vm1 =	veq.f32 v8, v10;
	v6 =	vnsel vm0, $0x80000040, v0  }
0x2a: {  	vm0 =	veq.f32 v7, v10;
	v6 =	vsel vm1, v1, v6  }
0x2b: {  	vm1 =	veq.f32 v9, v10;
	v6 =	vsel vm0, v2, v6  }
0x2c: {  	v6 =	vsel vm1, v3, v6  }
0x2d: {  	(xrf0) =	vmin.scan.msk.u32 $0xffff, v6;
	_ =	sdelay $0x5  }
0x2e: {  	v6, _, _ =	vpop (xrf0)  }
0x2f: {  	(v2sf) =	vpush v6, $0xF;
	_ =	sdelay $0xe  }
0x30: {  	s21 =	spop (v2sf)  }
0x31: {  	s21 =	sxor.u32 $0x80000000, s21  }
.Ltmp0:
0x32: {  	v6 =	vmov s21;
	(pc) =	sbr.rel @p2 .LBB2_3-.Ltmp0, $4  }
0x33: {  	[tilespmem:v4+s19+$0x0 ss:$0x1] =	vst.idx.msk $0xffff, v6;
	s19 =	sshra.s32 s20, $0x2  }
0x34: {  	v6 =	vld.idx.msk [tilespmem:v5+s19+$0x30 ss:$0x1], $0xffff  }
0x35: {  	v8 =	vld.idx.msk [tilespmem:v5+s19+$0x20 ss:$0x1], $0xffff  }
0x36: {  	s20 =	sadd.s32 $0x200, s20;
	v7 =	vld.idx.msk [tilespmem:v5+s19+$0x10 ss:$0x1], $0xffff  }
0x37: {  	_ =	sdelay $0x3  }
0x38: {  	v5 =	vld.idx.msk [tilespmem:v5+s19+$0x0 ss:$0x1], $0xffff;
	_ =	sdelay $0x4  }
0x39: {  	v10 =	vmax.f32 v8, v6;
	v9 =	vmax.f32 v5, v7  }
0x3a: {  	v9 =	vmax.f32 v9, v10  }
0x3b: {  	(xrf0) =	vmax.scan.msk.f32 $0xffff, v9;
	_ =	sdelay $0x5  }
0x3c: {  	v9, _, _ =	vpop (xrf0)  }
0x3d: {  	v9 =	vbroadcast v9, $0xF;
	_ =	sdelay $0x1  }
0x3e: {  	vm0 =	veq.f32 v6, v9  }
0x3f: {  	vm1 =	veq.f32 v8, v9;
	v6 =	vnsel vm0, $0x80000040, v0  }
0x40: {  	vm14 =	veq.f32 v7, v9;
	v6 =	vsel vm1, v1, v6  }
0x41: {  	vm15 =	veq.f32 v5, v9;
	v5 =	vsel vm14, v2, v6  }
0x42: {  	v5 =	vsel vm15, v3, v5  }
0x43: {  	(xrf0) =	vmin.scan.msk.u32 $0xffff, v5;
	_ =	sdelay $0x5  }
0x44: {  	v5, _, _ =	vpop (xrf0)  }
0x45: {  	(v2sf) =	vpush v5, $0xF;
	_ =	sdelay $0xd  }
0x46: {  	p2 =	seq.s32 s15, $0x7  }
0x47: {  	p1 =	por p2, p1;
	s20 =	spop (v2sf)  }
0x48: {  	s18 =	sshll.u32 @p1 s18, $0x7;
	s20 =	sxor.u32 $0x80000000, s20  }
0x49: {  	s18 =	sand.u32 @p1 $0x1FFFFF80, s18;
	v5 =	vmov s20  }
0x4a: {  	s16 =	sadd.s32 @p1 $0x3, s16;
	s18 =	sadd.s32 @p1 s4, s18;
	[tilespmem:v4+s19+$0x0 ss:$0x1] =	vst.idx.msk $0xffff, v5  }
0x4b: {  	s20 =	simm.s32 @p1 $0x0;
	s19 =	simm.s32 $0x1;
	_ =	strace $0x9000004B  }
0x4c: {  	s19 =	simm.s32 @!p0 $0x0;
	p0 =	seq.s32 s15, $0x0;
	_ =	strace @p1 $0x8000004C  }
0x4d: {  	[hbm4b:s18+s20] =	stream.linear.scatter @p1 [tilespmem:s17], [sflag:s16], $0x400, $0x200038;
	[tilespmem:$0x1000] =	vst v63  }
0x4e: {  	s16 =	simm.s32 $0x1;
	s18 =	simm.s32 $0x1;
	_ =	strace @p1 $0x9000004C  }
0x4f: {  	s16 =	simm.s32 @!p1 $0x0;
	p1 =	sne.s32 s15, $0x0;
	s15 =	sadd.s32 $0x1, s15  }
0x50: {  	s17 =	sand.u32 @!p0 $0x1, s11;
	s18 =	simm.s32 @!p1 $0x0;
	p1 =	sne.s32 s15, $0x8  }
.Ltmp1:
0x51: {  	s17 =	sadd.s32 @!p0 $0x3, s17;
	_ =	strace @!p0 $0x8000004D;
	(pc) =	sbr.rel @p1 .LBB2_2-.Ltmp1, $4  }
0x52: {  	_ =	swait.ge @!p0 [sflag:s17], $0x400  }
0x53: {  	[sflag:s17] =	ssyncset.done @!p0 $0x0  }
0x54: {  	s14 =	sadd.s32 s19, s14;
	s12 =	sadd.s32 s16, s12;
	[sflag:s17] =	ssyncadd.s32 @!p0 $0xFFFFFC00  }
0x55: {  	s13 =	sadd.s32 s16, s13;
	s11 =	sadd.s32 s18, s11;
	_ =	strace @!p0 $0x9000004D  }
0x56: {  	s9 =	sadd.s32 $0x1, s9  }
0x57: {  	p0 =	sne.s32 s9, s7  }
.Ltmp2:
0x58: {  	_ =	strace $0x8000004E;
	(pc) =	sbr.rel @p0 .LBB2_1-.Ltmp2, $4  }
0x59: {  	_ =	swait.ge [sflag:s8], $0x400  }
0x5a: {  	[sflag:s8] =	ssyncset.done $0x0  }
0x5b: {  	[sflag:s8] =	ssyncadd.s32 $0xFFFFFC00  }
0x5c: {  	_ =	strace $0x9000004E  }
0x5d: {  	_ =	sfence.sel $0x180000  }
0x5e: {  	[bflag:$0x0] =	sbarrier.arrive $0xFFFF  }
0x5f: {  	p0 =	sne.s32 s2, $0x0;
	_ =	strace $0x90000047  }
0x60: {  	s0 =	sadd.s32 @!p0 $0x100000, s0;
	[bflag:$0x2] =	sbarrier.arrive $0xFFFF  }
0x61: {  	[sflag:s0] =	ssyncadd.tile.s32 @!p0 $0x1;
	_ =	shalt  }
.Lfunc_end2:
_tile_overlayer_lowered:
.L_overlay_start_2:
0x62: {  	(tag) =	ssettag $0x2  }
0x63: {  	s0 =	rddreg [dreg:$0x0];
	s2 =	stileid.u32  }
0x64: {  	s1 =	rddreg [dreg:$0x1];
	p0 =	sne.s32 s2, $0x0  }
0x65: {  	s3 =	rddreg [dreg:$0x2];
	[bflag:$0x3] =	sbarrier.arrive $0xFFFF;
	s2 =	simm.s32 @!p0 $0x1C01  }
0x66: {  	[timem:s3], [sflag:s2] =	dma.local @!p0 [hbm:s0], s1  }
0x67: {  	s0 =	simm.s32 @!p0 $0x1  }
0x68: {  	_ =	swait.ge @!p0 [sflag:s0], s1  }
0x69: {  	s1 =	ssub.s32 @!p0 $0x0, s1;
	[sflag:s0] =	ssyncset.done @!p0 $0x0  }
0x6a: {  	[sflag:s0] =	ssyncadd.s32 @!p0 s1  }
0x6b: {  	[bflag:$0x3] =	sbarrier.arrive $0xFFFF  }
0x6c: {  	_ =	shalt  }

</sc_bundles>
